<compile_context>
chip_gen: v7x
topology: tpu7x:2x2x1
jax: 0.10.2.dev20260603
libtpu: 0.0.44.dev20260713+nightly
codegen_flags: <defaults>
</compile_context>

<pallas_src>
import functools

import jax
import jax.numpy as jnp
from jax import lax
from jax.experimental import pallas as pl
from jax.experimental.pallas import tpu as pltpu
from jax.experimental.pallas import tpu_sc as plsc

_N = 16384
_D = 512
_HALF = _N // 2
_CH = 1024
_NCH = _HALF // _CH
_NBUF = 3


def _sc_body(idx_hbm, x_hbm, w_hbm, out_hbm,
             buf0, buf1, buf2, idx_v, row_v,
             sin0, sin1, sin2, sout0, sout1, sout2, sem_idx):
    cid = lax.axis_index("c")
    sid = lax.axis_index("s")
    base = cid * _HALF
    bufs = (buf0, buf1, buf2)
    sins = (sin0, sin1, sin2)
    souts = (sout0, sout1, sout2)

    @pl.when(jnp.logical_and(cid == 0, sid == 0))
    def _lookup():
        pltpu.sync_copy(idx_hbm, idx_v)
        pltpu.async_copy(w_hbm.at[idx_v], row_v, sem_idx).wait()
        pltpu.sync_copy(row_v.at[pl.ds(0, 1)], out_hbm.at[pl.ds(_N, 1)])

    @pl.when(sid == 0)
    def _copy():
        in_cps = [None] * _NCH
        out_cps = [None] * _NCH

        def start_in(k):
            b = k % _NBUF
            cp = pltpu.make_async_copy(
                x_hbm.at[pl.ds(base + k * _CH, _CH)], bufs[b], sins[b]
            )
            cp.start()
            in_cps[k] = cp

        def start_out(k):
            b = k % _NBUF
            cp = pltpu.make_async_copy(
                bufs[b], out_hbm.at[pl.ds(base + k * _CH, _CH)], souts[b]
            )
            cp.start()
            out_cps[k] = cp

        for k in range(_NBUF - 1):
            start_in(k)
        for k in range(_NCH):
            in_cps[k].wait()
            start_out(k)
            if k + _NBUF - 1 < _NCH:
                if k >= 1:
                    out_cps[k - 1].wait()
                start_in(k + _NBUF - 1)
        for k in range(max(0, _NCH - _NBUF), _NCH):
            out_cps[k].wait()


def kernel(input_features, part_cls, obj_cls, W):
    flat = jnp.asarray(part_cls, jnp.int32) * 94 + jnp.asarray(obj_cls, jnp.int32)
    idx = jnp.full((8,), flat, dtype=jnp.int32)
    w2d = W.reshape(94 * 94, _D)
    mesh = plsc.VectorSubcoreMesh(core_axis_name="c", subcore_axis_name="s")
    k = functools.partial(
        pl.kernel,
        mesh=mesh,
        out_type=jax.ShapeDtypeStruct((_N + 1, _D), jnp.float32),
        scratch_types=[
            pltpu.VMEM_SHARED((_CH, _D), jnp.float32),
            pltpu.VMEM_SHARED((_CH, _D), jnp.float32),
            pltpu.VMEM_SHARED((_CH, _D), jnp.float32),
            pltpu.VMEM((8,), jnp.int32),
            pltpu.VMEM((8, _D), jnp.float32),
            pltpu.SemaphoreType.DMA,
            pltpu.SemaphoreType.DMA,
            pltpu.SemaphoreType.DMA,
            pltpu.SemaphoreType.DMA,
            pltpu.SemaphoreType.DMA,
            pltpu.SemaphoreType.DMA,
            pltpu.SemaphoreType.DMA,
        ],
    )(_sc_body)
    return k(idx, input_features, w2d)

# --- scband reference (transcript-rebuilt; emitter-appended) ---
"""Pipeline reference for scband-part-object-pair-66580583022704 (READ-ONLY COPY).

The authoritative reference and input builder live on the scoring server;
editing this copy changes nothing except your own understanding.
"""

import jax, jax.numpy as jnp
import numpy as np


def setup_inputs(seed: int = 0) -> dict:
    key = jax.random.key(seed)
    k1, k2 = jax.random.split(key)
    input_features = jax.random.normal(k1, (16384, 512), dtype=jnp.float32)
    # learned pairwise weight table: 94 part classes x 94 object classes, each [1, 512]
    W = jax.random.normal(k2, (94, 94, 1, 512), dtype=jnp.float32)
    return {"input_features": input_features, "part_cls": 37, "obj_cls": 58, "W": W}


def reference(input_features, part_cls, obj_cls, W):
    # 'concat' update_type: feature = torch.concat([input_features, self.weights[part_cls][obj_cls]])
    w = W[part_cls, obj_cls]  # [1, 512] -- pair-indexed embedding lookup
    feature = jnp.concatenate([input_features, w], axis=0)  # [N+1, 512]
    return feature

if __name__ == "__main__":
    import jax
    _d = setup_inputs()
    print(jax.jit(kernel)(*tuple(_d.values())))

</pallas_src>

<mosaic_0001>
#map = affine_map<(d0, d1) -> (0)>
#map1 = affine_map<(d0, d1) -> (0, 0)>
module attributes {stable_mosaic.version = 14 : i64} {
  func.func @_sc_body(%arg0: i32, %arg1: i32, %arg2: memref<8xi32, #tpu.memory_space<hbm>>, %arg3: memref<16384x512xf32, #tpu.memory_space<hbm>>, %arg4: memref<8836x512xf32, #tpu.memory_space<hbm>>, %arg5: memref<16385x512xf32, #tpu.memory_space<hbm>>, %arg6: memref<1024x512xf32, #tpu.memory_space<vmem_shared>>, %arg7: memref<1024x512xf32, #tpu.memory_space<vmem_shared>>, %arg8: memref<1024x512xf32, #tpu.memory_space<vmem_shared>>, %arg9: memref<8xi32, #tpu.memory_space<vmem>>, %arg10: memref<8x512xf32, #tpu.memory_space<vmem>>, %arg11: memref<!tpu.dma_semaphore, #tpu.memory_space<semaphore_mem>>, %arg12: memref<!tpu.dma_semaphore, #tpu.memory_space<semaphore_mem>>, %arg13: memref<!tpu.dma_semaphore, #tpu.memory_space<semaphore_mem>>, %arg14: memref<!tpu.dma_semaphore, #tpu.memory_space<semaphore_mem>>, %arg15: memref<!tpu.dma_semaphore, #tpu.memory_space<semaphore_mem>>, %arg16: memref<!tpu.dma_semaphore, #tpu.memory_space<semaphore_mem>>, %arg17: memref<!tpu.dma_semaphore, #tpu.memory_space<semaphore_mem>>) attributes {dimension_semantics = [#tpu.dimension_semantics<core_parallel>, #tpu.dimension_semantics<subcore_parallel>], iteration_bounds = array<i64: 2, 16>, scalar_prefetch = 0 : i64, scratch_operands = 12 : i64, tpu.core_type = #tpu.core_type<sc_vector_subcore>, window_params = [{transform_indices = #map}, {transform_indices = #map1}, {transform_indices = #map1}, {transform_indices = #map1}]} {
    %mul3A = arith.constant 8192 : i32
    %mul3A_0 = arith.muli %arg0, %mul3A : i32
    %eq3A = arith.constant 0 : i32
    %eq3A_1 = arith.cmpi eq, %arg0, %eq3A : i32
    %eq3A_2 = arith.constant 0 : i32
    %eq3A_3 = arith.cmpi eq, %arg1, %eq3A_2 : i32
    %and3A = arith.andi %eq3A_1, %eq3A_3 : i1
    %convert_element_type3A = arith.extui %and3A : i1 to i32
    %cond3A = arith.constant 0 : i32
    %cond3A_4 = arith.cmpi ne, %convert_element_type3A, %cond3A : i32
    scf.if %cond3A_4 {
      "tpu.region"() ({
        %run_scoped3A = tpu.sem_alloc : memref<!tpu.dma_semaphore, #tpu.memory_space<semaphore_mem>>
        tpu.enqueue_dma source(%arg2 : memref<8xi32, #tpu.memory_space<hbm>>) target(%arg9 : memref<8xi32, #tpu.memory_space<vmem>>) target_semaphore(%run_scoped3A : memref<!tpu.dma_semaphore, #tpu.memory_space<semaphore_mem>>)
        tpu.wait_dma2 semaphore(%run_scoped3A : memref<!tpu.dma_semaphore, #tpu.memory_space<semaphore_mem>>) src(%arg2 : memref<8xi32, #tpu.memory_space<hbm>>) dst(%arg9 : memref<8xi32, #tpu.memory_space<vmem>>)
        tpu.yield
      }) : () -> ()
      %dma_start3A = arith.constant 0 : i32
      %dma_start3A_10 = arith.constant 0 : i32
      %dma_start3A_11 = tpu.memref_slice %arg4[%dma_start3A, %dma_start3A_10] : memref<8836x512xf32, #tpu.memory_space<hbm>> -> memref<8836x512xf32, #tpu.memory_space<hbm>>
      tpu.enqueue_indirect_dma source(%dma_start3A_11 : memref<8836x512xf32, #tpu.memory_space<hbm>>) target(%arg10 : memref<8x512xf32, #tpu.memory_space<vmem>>) offsets(%arg9 : memref<8xi32, #tpu.memory_space<vmem>>) semaphore(%arg17 : memref<!tpu.dma_semaphore, #tpu.memory_space<semaphore_mem>>)
      %dma_wait3A = arith.constant 0 : i32
      %dma_wait3A_12 = arith.constant 0 : i32
      %dma_wait3A_13 = tpu.memref_slice %arg4[%dma_wait3A, %dma_wait3A_12] : memref<8836x512xf32, #tpu.memory_space<hbm>> -> memref<8836x512xf32, #tpu.memory_space<hbm>>
      tpu.wait_indirect_dma semaphore(%arg17 : memref<!tpu.dma_semaphore, #tpu.memory_space<semaphore_mem>>) src(%dma_wait3A_13 : memref<8836x512xf32, #tpu.memory_space<hbm>>) dst(%arg10 : memref<8x512xf32, #tpu.memory_space<vmem>>)
      "tpu.region"() ({
        %run_scoped3A = tpu.sem_alloc : memref<!tpu.dma_semaphore, #tpu.memory_space<semaphore_mem>>
        %dma_start3A_14 = arith.constant 0 : i32
        %dma_start3A_15 = arith.constant 0 : i32
        %dma_start3A_16 = tpu.memref_slice %arg10[%dma_start3A_14, %dma_start3A_15] : memref<8x512xf32, #tpu.memory_space<vmem>> -> memref<1x512xf32, #tpu.memory_space<vmem>>
        %dma_start3A_17 = arith.constant 16384 : i32
        %dma_start3A_18 = arith.constant 0 : i32
        %dma_start3A_19 = tpu.memref_slice %arg5[%dma_start3A_17, %dma_start3A_18] : memref<16385x512xf32, #tpu.memory_space<hbm>> -> memref<1x512xf32, #tpu.memory_space<hbm>>
        %dma_start3A_20 = arith.constant 16384 : i32
        %dma_start3A_21 = arith.constant 0 : i32
        %dma_start3A_22 = tpu.memref_slice %arg5[%dma_start3A_20, %dma_start3A_21] : memref<16385x512xf32, #tpu.memory_space<hbm>> -> memref<1x512xf32, #tpu.memory_space<hbm>>
        %dma_start3A_23 = arith.constant 0 : i32
        %dma_start3A_24 = arith.constant 0 : i32
        %dma_start3A_25 = tpu.memref_slice %arg10[%dma_start3A_23, %dma_start3A_24] : memref<8x512xf32, #tpu.memory_space<vmem>> -> memref<1x512xf32, #tpu.memory_space<vmem>>
        tpu.enqueue_dma source(%dma_start3A_25 : memref<1x512xf32, #tpu.memory_space<vmem>>) target(%dma_start3A_22 : memref<1x512xf32, #tpu.memory_space<hbm>>) target_semaphore(%run_scoped3A : memref<!tpu.dma_semaphore, #tpu.memory_space<semaphore_mem>>)
        %dma_wait3A_26 = arith.constant 0 : i32
        %dma_wait3A_27 = arith.constant 0 : i32
        %dma_wait3A_28 = tpu.memref_slice %arg10[%dma_wait3A_26, %dma_wait3A_27] : memref<8x512xf32, #tpu.memory_space<vmem>> -> memref<1x512xf32, #tpu.memory_space<vmem>>
        %dma_wait3A_29 = arith.constant 16384 : i32
        %dma_wait3A_30 = arith.constant 0 : i32
        %dma_wait3A_31 = tpu.memref_slice %arg5[%dma_wait3A_29, %dma_wait3A_30] : memref<16385x512xf32, #tpu.memory_space<hbm>> -> memref<1x512xf32, #tpu.memory_space<hbm>>
        %dma_wait3A_32 = arith.constant 16384 : i32
        %dma_wait3A_33 = arith.constant 0 : i32
        %dma_wait3A_34 = tpu.memref_slice %arg5[%dma_wait3A_32, %dma_wait3A_33] : memref<16385x512xf32, #tpu.memory_space<hbm>> -> memref<1x512xf32, #tpu.memory_space<hbm>>
        %dma_wait3A_35 = arith.constant 0 : i32
        %dma_wait3A_36 = arith.constant 0 : i32
        %dma_wait3A_37 = tpu.memref_slice %arg10[%dma_wait3A_35, %dma_wait3A_36] : memref<8x512xf32, #tpu.memory_space<vmem>> -> memref<1x512xf32, #tpu.memory_space<vmem>>
        tpu.wait_dma2 semaphore(%run_scoped3A : memref<!tpu.dma_semaphore, #tpu.memory_space<semaphore_mem>>) src(%dma_wait3A_37 : memref<1x512xf32, #tpu.memory_space<vmem>>) dst(%dma_wait3A_34 : memref<1x512xf32, #tpu.memory_space<hbm>>)
        tpu.yield
      }) : () -> ()
    } else {
    }
    %eq3A_5 = arith.constant 0 : i32
    %eq3A_6 = arith.cmpi eq, %arg1, %eq3A_5 : i32
    %convert_element_type3A_7 = arith.extui %eq3A_6 : i1 to i32
    %cond3A_8 = arith.constant 0 : i32
    %cond3A_9 = arith.cmpi ne, %convert_element_type3A_7, %cond3A_8 : i32
    scf.if %cond3A_9 {
      %add3A = arith.constant 0 : i32
      %add3A_10 = arith.addi %mul3A_0, %add3A : i32
      %dma_start3A = arith.constant 0 : i32
      %dma_start3A_11 = tpu.memref_slice %arg3[%add3A_10, %dma_start3A] : memref<16384x512xf32, #tpu.memory_space<hbm>> -> memref<1024x512xf32, #tpu.memory_space<hbm>>
      tpu.enqueue_dma source(%dma_start3A_11 : memref<1024x512xf32, #tpu.memory_space<hbm>>) target(%arg6 : memref<1024x512xf32, #tpu.memory_space<vmem_shared>>) target_semaphore(%arg11 : memref<!tpu.dma_semaphore, #tpu.memory_space<semaphore_mem>>)
      %add3A_12 = arith.constant 1024 : i32
      %add3A_13 = arith.addi %mul3A_0, %add3A_12 : i32
      %dma_start3A_14 = arith.constant 0 : i32
      %dma_start3A_15 = tpu.memref_slice %arg3[%add3A_13, %dma_start3A_14] : memref<16384x512xf32, #tpu.memory_space<hbm>> -> memref<1024x512xf32, #tpu.memory_space<hbm>>
      tpu.enqueue_dma source(%dma_start3A_15 : memref<1024x512xf32, #tpu.memory_space<hbm>>) target(%arg7 : memref<1024x512xf32, #tpu.memory_space<vmem_shared>>) target_semaphore(%arg12 : memref<!tpu.dma_semaphore, #tpu.memory_space<semaphore_mem>>)
      %dma_wait3A = arith.constant 0 : i32
      %dma_wait3A_16 = tpu.memref_slice %arg3[%add3A_10, %dma_wait3A] : memref<16384x512xf32, #tpu.memory_space<hbm>> -> memref<1024x512xf32, #tpu.memory_space<hbm>>
      tpu.wait_dma2 semaphore(%arg11 : memref<!tpu.dma_semaphore, #tpu.memory_space<semaphore_mem>>) src(%dma_wait3A_16 : memref<1024x512xf32, #tpu.memory_space<hbm>>) dst(%arg6 : memref<1024x512xf32, #tpu.memory_space<vmem_shared>>)
      %add3A_17 = arith.constant 0 : i32
      %add3A_18 = arith.addi %mul3A_0, %add3A_17 : i32
      %dma_start3A_19 = arith.constant 0 : i32
      %dma_start3A_20 = tpu.memref_slice %arg5[%add3A_18, %dma_start3A_19] : memref<16385x512xf32, #tpu.memory_space<hbm>> -> memref<1024x512xf32, #tpu.memory_space<hbm>>
      tpu.enqueue_dma source(%arg6 : memref<1024x512xf32, #tpu.memory_space<vmem_shared>>) target(%dma_start3A_20 : memref<1024x512xf32, #tpu.memory_space<hbm>>) target_semaphore(%arg14 : memref<!tpu.dma_semaphore, #tpu.memory_space<semaphore_mem>>)
      %add3A_21 = arith.constant 2048 : i32
      %add3A_22 = arith.addi %mul3A_0, %add3A_21 : i32
      %dma_start3A_23 = arith.constant 0 : i32
      %dma_start3A_24 = tpu.memref_slice %arg3[%add3A_22, %dma_start3A_23] : memref<16384x512xf32, #tpu.memory_space<hbm>> -> memref<1024x512xf32, #tpu.memory_space<hbm>>
      tpu.enqueue_dma source(%dma_start3A_24 : memref<1024x512xf32, #tpu.memory_space<hbm>>) target(%arg8 : memref<1024x512xf32, #tpu.memory_space<vmem_shared>>) target_semaphore(%arg13 : memref<!tpu.dma_semaphore, #tpu.memory_space<semaphore_mem>>)
      %dma_wait3A_25 = arith.constant 0 : i32
      %dma_wait3A_26 = tpu.memref_slice %arg3[%add3A_13, %dma_wait3A_25] : memref<16384x512xf32, #tpu.memory_space<hbm>> -> memref<1024x512xf32, #tpu.memory_space<hbm>>
      tpu.wait_dma2 semaphore(%arg12 : memref<!tpu.dma_semaphore, #tpu.memory_space<semaphore_mem>>) src(%dma_wait3A_26 : memref<1024x512xf32, #tpu.memory_space<hbm>>) dst(%arg7 : memref<1024x512xf32, #tpu.memory_space<vmem_shared>>)
      %add3A_27 = arith.constant 1024 : i32
      %add3A_28 = arith.addi %mul3A_0, %add3A_27 : i32
      %dma_start3A_29 = arith.constant 0 : i32
      %dma_start3A_30 = tpu.memref_slice %arg5[%add3A_28, %dma_start3A_29] : memref<16385x512xf32, #tpu.memory_space<hbm>> -> memref<1024x512xf32, #tpu.memory_space<hbm>>
      tpu.enqueue_dma source(%arg7 : memref<1024x512xf32, #tpu.memory_space<vmem_shared>>) target(%dma_start3A_30 : memref<1024x512xf32, #tpu.memory_space<hbm>>) target_semaphore(%arg15 : memref<!tpu.dma_semaphore, #tpu.memory_space<semaphore_mem>>)
      %dma_wait3A_31 = arith.constant 0 : i32
      %dma_wait3A_32 = tpu.memref_slice %arg5[%add3A_18, %dma_wait3A_31] : memref<16385x512xf32, #tpu.memory_space<hbm>> -> memref<1024x512xf32, #tpu.memory_space<hbm>>
      tpu.wait_dma2 semaphore(%arg14 : memref<!tpu.dma_semaphore, #tpu.memory_space<semaphore_mem>>) src(%arg6 : memref<1024x512xf32, #tpu.memory_space<vmem_shared>>) dst(%dma_wait3A_32 : memref<1024x512xf32, #tpu.memory_space<hbm>>)
      %add3A_33 = arith.constant 3072 : i32
      %add3A_34 = arith.addi %mul3A_0, %add3A_33 : i32
      %dma_start3A_35 = arith.constant 0 : i32
      %dma_start3A_36 = tpu.memref_slice %arg3[%add3A_34, %dma_start3A_35] : memref<16384x512xf32, #tpu.memory_space<hbm>> -> memref<1024x512xf32, #tpu.memory_space<hbm>>
      tpu.enqueue_dma source(%dma_start3A_36 : memref<1024x512xf32, #tpu.memory_space<hbm>>) target(%arg6 : memref<1024x512xf32, #tpu.memory_space<vmem_shared>>) target_semaphore(%arg11 : memref<!tpu.dma_semaphore, #tpu.memory_space<semaphore_mem>>)
      %dma_wait3A_37 = arith.constant 0 : i32
      %dma_wait3A_38 = tpu.memref_slice %arg3[%add3A_22, %dma_wait3A_37] : memref<16384x512xf32, #tpu.memory_space<hbm>> -> memref<1024x512xf32, #tpu.memory_space<hbm>>
      tpu.wait_dma2 semaphore(%arg13 : memref<!tpu.dma_semaphore, #tpu.memory_space<semaphore_mem>>) src(%dma_wait3A_38 : memref<1024x512xf32, #tpu.memory_space<hbm>>) dst(%arg8 : memref<1024x512xf32, #tpu.memory_space<vmem_shared>>)
      %add3A_39 = arith.constant 2048 : i32
      %add3A_40 = arith.addi %mul3A_0, %add3A_39 : i32
      %dma_start3A_41 = arith.constant 0 : i32
      %dma_start3A_42 = tpu.memref_slice %arg5[%add3A_40, %dma_start3A_41] : memref<16385x512xf32, #tpu.memory_space<hbm>> -> memref<1024x512xf32, #tpu.memory_space<hbm>>
      tpu.enqueue_dma source(%arg8 : memref<1024x512xf32, #tpu.memory_space<vmem_shared>>) target(%dma_start3A_42 : memref<1024x512xf32, #tpu.memory_space<hbm>>) target_semaphore(%arg16 : memref<!tpu.dma_semaphore, #tpu.memory_space<semaphore_mem>>)
      %dma_wait3A_43 = arith.constant 0 : i32
      %dma_wait3A_44 = tpu.memref_slice %arg5[%add3A_28, %dma_wait3A_43] : memref<16385x512xf32, #tpu.memory_space<hbm>> -> memref<1024x512xf32, #tpu.memory_space<hbm>>
      tpu.wait_dma2 semaphore(%arg15 : memref<!tpu.dma_semaphore, #tpu.memory_space<semaphore_mem>>) src(%arg7 : memref<1024x512xf32, #tpu.memory_space<vmem_shared>>) dst(%dma_wait3A_44 : memref<1024x512xf32, #tpu.memory_space<hbm>>)
      %add3A_45 = arith.constant 4096 : i32
      %add3A_46 = arith.addi %mul3A_0, %add3A_45 : i32
      %dma_start3A_47 = arith.constant 0 : i32
      %dma_start3A_48 = tpu.memref_slice %arg3[%add3A_46, %dma_start3A_47] : memref<16384x512xf32, #tpu.memory_space<hbm>> -> memref<1024x512xf32, #tpu.memory_space<hbm>>
      tpu.enqueue_dma source(%dma_start3A_48 : memref<1024x512xf32, #tpu.memory_space<hbm>>) target(%arg7 : memref<1024x512xf32, #tpu.memory_space<vmem_shared>>) target_semaphore(%arg12 : memref<!tpu.dma_semaphore, #tpu.memory_space<semaphore_mem>>)
      %dma_wait3A_49 = arith.constant 0 : i32
      %dma_wait3A_50 = tpu.memref_slice %arg3[%add3A_34, %dma_wait3A_49] : memref<16384x512xf32, #tpu.memory_space<hbm>> -> memref<1024x512xf32, #tpu.memory_space<hbm>>
      tpu.wait_dma2 semaphore(%arg11 : memref<!tpu.dma_semaphore, #tpu.memory_space<semaphore_mem>>) src(%dma_wait3A_50 : memref<1024x512xf32, #tpu.memory_space<hbm>>) dst(%arg6 : memref<1024x512xf32, #tpu.memory_space<vmem_shared>>)
      %add3A_51 = arith.constant 3072 : i32
      %add3A_52 = arith.addi %mul3A_0, %add3A_51 : i32
      %dma_start3A_53 = arith.constant 0 : i32
      %dma_start3A_54 = tpu.memref_slice %arg5[%add3A_52, %dma_start3A_53] : memref<16385x512xf32, #tpu.memory_space<hbm>> -> memref<1024x512xf32, #tpu.memory_space<hbm>>
      tpu.enqueue_dma source(%arg6 : memref<1024x512xf32, #tpu.memory_space<vmem_shared>>) target(%dma_start3A_54 : memref<1024x512xf32, #tpu.memory_space<hbm>>) target_semaphore(%arg14 : memref<!tpu.dma_semaphore, #tpu.memory_space<semaphore_mem>>)
      %dma_wait3A_55 = arith.constant 0 : i32
      %dma_wait3A_56 = tpu.memref_slice %arg5[%add3A_40, %dma_wait3A_55] : memref<16385x512xf32, #tpu.memory_space<hbm>> -> memref<1024x512xf32, #tpu.memory_space<hbm>>
      tpu.wait_dma2 semaphore(%arg16 : memref<!tpu.dma_semaphore, #tpu.memory_space<semaphore_mem>>) src(%arg8 : memref<1024x512xf32, #tpu.memory_space<vmem_shared>>) dst(%dma_wait3A_56 : memref<1024x512xf32, #tpu.memory_space<hbm>>)
      %add3A_57 = arith.constant 5120 : i32
      %add3A_58 = arith.addi %mul3A_0, %add3A_57 : i32
      %dma_start3A_59 = arith.constant 0 : i32
      %dma_start3A_60 = tpu.memref_slice %arg3[%add3A_58, %dma_start3A_59] : memref<16384x512xf32, #tpu.memory_space<hbm>> -> memref<1024x512xf32, #tpu.memory_space<hbm>>
      tpu.enqueue_dma source(%dma_start3A_60 : memref<1024x512xf32, #tpu.memory_space<hbm>>) target(%arg8 : memref<1024x512xf32, #tpu.memory_space<vmem_shared>>) target_semaphore(%arg13 : memref<!tpu.dma_semaphore, #tpu.memory_space<semaphore_mem>>)
      %dma_wait3A_61 = arith.constant 0 : i32
      %dma_wait3A_62 = tpu.memref_slice %arg3[%add3A_46, %dma_wait3A_61] : memref<16384x512xf32, #tpu.memory_space<hbm>> -> memref<1024x512xf32, #tpu.memory_space<hbm>>
      tpu.wait_dma2 semaphore(%arg12 : memref<!tpu.dma_semaphore, #tpu.memory_space<semaphore_mem>>) src(%dma_wait3A_62 : memref<1024x512xf32, #tpu.memory_space<hbm>>) dst(%arg7 : memref<1024x512xf32, #tpu.memory_space<vmem_shared>>)
      %add3A_63 = arith.constant 4096 : i32
      %add3A_64 = arith.addi %mul3A_0, %add3A_63 : i32
      %dma_start3A_65 = arith.constant 0 : i32
      %dma_start3A_66 = tpu.memref_slice %arg5[%add3A_64, %dma_start3A_65] : memref<16385x512xf32, #tpu.memory_space<hbm>> -> memref<1024x512xf32, #tpu.memory_space<hbm>>
      tpu.enqueue_dma source(%arg7 : memref<1024x512xf32, #tpu.memory_space<vmem_shared>>) target(%dma_start3A_66 : memref<1024x512xf32, #tpu.memory_space<hbm>>) target_semaphore(%arg15 : memref<!tpu.dma_semaphore, #tpu.memory_space<semaphore_mem>>)
      %dma_wait3A_67 = arith.constant 0 : i32
      %dma_wait3A_68 = tpu.memref_slice %arg5[%add3A_52, %dma_wait3A_67] : memref<16385x512xf32, #tpu.memory_space<hbm>> -> memref<1024x512xf32, #tpu.memory_space<hbm>>
      tpu.wait_dma2 semaphore(%arg14 : memref<!tpu.dma_semaphore, #tpu.memory_space<semaphore_mem>>) src(%arg6 : memref<1024x512xf32, #tpu.memory_space<vmem_shared>>) dst(%dma_wait3A_68 : memref<1024x512xf32, #tpu.memory_space<hbm>>)
      %add3A_69 = arith.constant 6144 : i32
      %add3A_70 = arith.addi %mul3A_0, %add3A_69 : i32
      %dma_start3A_71 = arith.constant 0 : i32
      %dma_start3A_72 = tpu.memref_slice %arg3[%add3A_70, %dma_start3A_71] : memref<16384x512xf32, #tpu.memory_space<hbm>> -> memref<1024x512xf32, #tpu.memory_space<hbm>>
      tpu.enqueue_dma source(%dma_start3A_72 : memref<1024x512xf32, #tpu.memory_space<hbm>>) target(%arg6 : memref<1024x512xf32, #tpu.memory_space<vmem_shared>>) target_semaphore(%arg11 : memref<!tpu.dma_semaphore, #tpu.memory_space<semaphore_mem>>)
      %dma_wait3A_73 = arith.constant 0 : i32
      %dma_wait3A_74 = tpu.memref_slice %arg3[%add3A_58, %dma_wait3A_73] : memref<16384x512xf32, #tpu.memory_space<hbm>> -> memref<1024x512xf32, #tpu.memory_space<hbm>>
      tpu.wait_dma2 semaphore(%arg13 : memref<!tpu.dma_semaphore, #tpu.memory_space<semaphore_mem>>) src(%dma_wait3A_74 : memref<1024x512xf32, #tpu.memory_space<hbm>>) dst(%arg8 : memref<1024x512xf32, #tpu.memory_space<vmem_shared>>)
      %add3A_75 = arith.constant 5120 : i32
      %add3A_76 = arith.addi %mul3A_0, %add3A_75 : i32
      %dma_start3A_77 = arith.constant 0 : i32
      %dma_start3A_78 = tpu.memref_slice %arg5[%add3A_76, %dma_start3A_77] : memref<16385x512xf32, #tpu.memory_space<hbm>> -> memref<1024x512xf32, #tpu.memory_space<hbm>>
      tpu.enqueue_dma source(%arg8 : memref<1024x512xf32, #tpu.memory_space<vmem_shared>>) target(%dma_start3A_78 : memref<1024x512xf32, #tpu.memory_space<hbm>>) target_semaphore(%arg16 : memref<!tpu.dma_semaphore, #tpu.memory_space<semaphore_mem>>)
      %dma_wait3A_79 = arith.constant 0 : i32
      %dma_wait3A_80 = tpu.memref_slice %arg5[%add3A_64, %dma_wait3A_79] : memref<16385x512xf32, #tpu.memory_space<hbm>> -> memref<1024x512xf32, #tpu.memory_space<hbm>>
      tpu.wait_dma2 semaphore(%arg15 : memref<!tpu.dma_semaphore, #tpu.memory_space<semaphore_mem>>) src(%arg7 : memref<1024x512xf32, #tpu.memory_space<vmem_shared>>) dst(%dma_wait3A_80 : memref<1024x512xf32, #tpu.memory_space<hbm>>)
      %add3A_81 = arith.constant 7168 : i32
      %add3A_82 = arith.addi %mul3A_0, %add3A_81 : i32
      %dma_start3A_83 = arith.constant 0 : i32
      %dma_start3A_84 = tpu.memref_slice %arg3[%add3A_82, %dma_start3A_83] : memref<16384x512xf32, #tpu.memory_space<hbm>> -> memref<1024x512xf32, #tpu.memory_space<hbm>>
      tpu.enqueue_dma source(%dma_start3A_84 : memref<1024x512xf32, #tpu.memory_space<hbm>>) target(%arg7 : memref<1024x512xf32, #tpu.memory_space<vmem_shared>>) target_semaphore(%arg12 : memref<!tpu.dma_semaphore, #tpu.memory_space<semaphore_mem>>)
      %dma_wait3A_85 = arith.constant 0 : i32
      %dma_wait3A_86 = tpu.memref_slice %arg3[%add3A_70, %dma_wait3A_85] : memref<16384x512xf32, #tpu.memory_space<hbm>> -> memref<1024x512xf32, #tpu.memory_space<hbm>>
      tpu.wait_dma2 semaphore(%arg11 : memref<!tpu.dma_semaphore, #tpu.memory_space<semaphore_mem>>) src(%dma_wait3A_86 : memref<1024x512xf32, #tpu.memory_space<hbm>>) dst(%arg6 : memref<1024x512xf32, #tpu.memory_space<vmem_shared>>)
      %add3A_87 = arith.constant 6144 : i32
      %add3A_88 = arith.addi %mul3A_0, %add3A_87 : i32
      %dma_start3A_89 = arith.constant 0 : i32
      %dma_start3A_90 = tpu.memref_slice %arg5[%add3A_88, %dma_start3A_89] : memref<16385x512xf32, #tpu.memory_space<hbm>> -> memref<1024x512xf32, #tpu.memory_space<hbm>>
      tpu.enqueue_dma source(%arg6 : memref<1024x512xf32, #tpu.memory_space<vmem_shared>>) target(%dma_start3A_90 : memref<1024x512xf32, #tpu.memory_space<hbm>>) target_semaphore(%arg14 : memref<!tpu.dma_semaphore, #tpu.memory_space<semaphore_mem>>)
      %dma_wait3A_91 = arith.constant 0 : i32
      %dma_wait3A_92 = tpu.memref_slice %arg3[%add3A_82, %dma_wait3A_91] : memref<16384x512xf32, #tpu.memory_space<hbm>> -> memref<1024x512xf32, #tpu.memory_space<hbm>>
      tpu.wait_dma2 semaphore(%arg12 : memref<!tpu.dma_semaphore, #tpu.memory_space<semaphore_mem>>) src(%dma_wait3A_92 : memref<1024x512xf32, #tpu.memory_space<hbm>>) dst(%arg7 : memref<1024x512xf32, #tpu.memory_space<vmem_shared>>)
      %add3A_93 = arith.constant 7168 : i32
      %add3A_94 = arith.addi %mul3A_0, %add3A_93 : i32
      %dma_start3A_95 = arith.constant 0 : i32
      %dma_start3A_96 = tpu.memref_slice %arg5[%add3A_94, %dma_start3A_95] : memref<16385x512xf32, #tpu.memory_space<hbm>> -> memref<1024x512xf32, #tpu.memory_space<hbm>>
      tpu.enqueue_dma source(%arg7 : memref<1024x512xf32, #tpu.memory_space<vmem_shared>>) target(%dma_start3A_96 : memref<1024x512xf32, #tpu.memory_space<hbm>>) target_semaphore(%arg15 : memref<!tpu.dma_semaphore, #tpu.memory_space<semaphore_mem>>)
      %dma_wait3A_97 = arith.constant 0 : i32
      %dma_wait3A_98 = tpu.memref_slice %arg5[%add3A_76, %dma_wait3A_97] : memref<16385x512xf32, #tpu.memory_space<hbm>> -> memref<1024x512xf32, #tpu.memory_space<hbm>>
      tpu.wait_dma2 semaphore(%arg16 : memref<!tpu.dma_semaphore, #tpu.memory_space<semaphore_mem>>) src(%arg8 : memref<1024x512xf32, #tpu.memory_space<vmem_shared>>) dst(%dma_wait3A_98 : memref<1024x512xf32, #tpu.memory_space<hbm>>)
      %dma_wait3A_99 = arith.constant 0 : i32
      %dma_wait3A_100 = tpu.memref_slice %arg5[%add3A_88, %dma_wait3A_99] : memref<16385x512xf32, #tpu.memory_space<hbm>> -> memref<1024x512xf32, #tpu.memory_space<hbm>>
      tpu.wait_dma2 semaphore(%arg14 : memref<!tpu.dma_semaphore, #tpu.memory_space<semaphore_mem>>) src(%arg6 : memref<1024x512xf32, #tpu.memory_space<vmem_shared>>) dst(%dma_wait3A_100 : memref<1024x512xf32, #tpu.memory_space<hbm>>)
      %dma_wait3A_101 = arith.constant 0 : i32
      %dma_wait3A_102 = tpu.memref_slice %arg5[%add3A_94, %dma_wait3A_101] : memref<16385x512xf32, #tpu.memory_space<hbm>> -> memref<1024x512xf32, #tpu.memory_space<hbm>>
      tpu.wait_dma2 semaphore(%arg15 : memref<!tpu.dma_semaphore, #tpu.memory_space<semaphore_mem>>) src(%arg7 : memref<1024x512xf32, #tpu.memory_space<vmem_shared>>) dst(%dma_wait3A_102 : memref<1024x512xf32, #tpu.memory_space<hbm>>)
    } else {
    }
    return
  }
}

</mosaic_0001>

<sc_bundles>
// kernel: kernel.3.cloned.1.call-start
scs
__scs_entry_jumppad:
0x0: {  	(pc) =	sbr.rel $0x88, $3  }
0x1: {  	(tag) =	ssettag $0x0;
	lr =	simm.s32 $0x1  }
0x2: {  	[smem:$0x3F9D] =	sst lr;
	_ =	strace $0xD0000000  }
0x3: {  	_ = 	snop  }
0x4: {  	_ = 	snop  }
0x5: {  	_ = 	snop  }
0x6: {  	_ = 	snop  }
0x7: {  	_ = 	snop  }
__scs_overlays_trampoline_lowered:
0x8: {  	[smem:$0x3FAC] =	sst s0  }
0x9: {  	[smem:$0x3FAD] =	sst s1  }
0xa: {  	[smem:$0x3FAE] =	sst s2  }
0xb: {  	[smem:$0x3FAF] =	sst s3  }
0xc: {  	[smem:$0x3FB0] =	sst s4  }
0xd: {  	[smem:$0x3FB1] =	sst s5  }
0xe: {  	[smem:$0x3FB2] =	sst s6  }
0xf: {  	[smem:$0x3FB3] =	sst s7  }
0x10: {  	[smem:$0x3FB4] =	sst s8  }
0x11: {  	[smem:$0x3FB5] =	sst s9;
	s0 =	simm.s32 @!p0 $0x0  }
0x12: {  	s1 =	sld [smem:$0x3F9B];
	s0 =	simm.s32 @p0 $0x1  }
0x13: {  	[smem:$0x3FB6] =	sst s0;
	s0 =	simm.s32 @!p1 $0x0  }
0x14: {  	s2 =	sld [smem:$0x3F9A];
	s0 =	simm.s32 @p1 $0x1  }
0x15: {  	[smem:$0x3FB7] =	sst s0;
	s0 =	simm.s32 @!p2 $0x0  }
0x16: {  	s3 =	sld [smem:$0x3FDB];
	s0 =	simm.s32 @p2 $0x1  }
0x17: {  	s4 =	simm.s32 $0x1BF5;
	[smem:$0x3FB9] =	sst s0  }
0x18: {  	s0 =	sld [smem:$0x3F9C];
	_ =	swait.ge [sflag:s4], $0x0  }
0x19: {  	s7 =	sld [smem:$0x3F9D]  }
0x1a: {  	s8 =	sadd.s32 $0xFFFFE003, lr  }
0x1b: {  	s9 =	sadd.s32 $0xFFFFFEF7, lr;
	s5 =	simm.s32 $0xFFFFFFFF;
	p2 =	slt.u32 s8, $0xFFFFF086  }
0x1c: {  	p1 =	slt.u32 s9, $0xF7A;
	s5 =	simm.s32 @!p2 $0x0  }
0x1d: {  	s5 =	simm.s32 @p1 $0x1;
	p0 =	seq.s32 s7, s2  }
0x1e: {  	s7 =	smul.u32 @!p0 $0xF7A, s2;
	p2 =	seq.s32 @!p0 s5, $0x0  }
0x1f: {  	s9 =	smul.u32 $0xF7A, s1;
	s8 =	simm.s32 @!p0 $0x1BF5;
	p2 =	por !p2, p0  }
0x20: {  	[sflag:s8] =	ssyncset.s32 @!p0 $0xFFFFF086;
	s6 =	sadd.s32 @!p0 s3, s7;
	s7 =	simm.s32 @!p0 $0x108  }
0x21: {  	s3 =	sadd.s32 s3, s9;
	s6 =	sadd.s32 @!p0 $0x88, s6;
	s7 =	simm.s32 @p2 $0x1082  }
0x22: {  	[simem:s7], [sflag:s8] =	dma.local @!p0 [hbm:s6], $0xF7A  }
0x23: {  	s9 =	sor.u32 $0xD0000000, s2;
	s6 =	simm.s32 $0x108;
	_ =	swait.ge @!p0 [sflag:s8], $0x0  }
0x24: {  	s3 =	sadd.s32 $0x88, s3;
	s6 =	simm.s32 @!p1 $0x1082;
	[sflag:s4] =	ssyncset.s32 $0xFFFFF086  }
0x25: {  	[simem:s6], [sflag:s4] =	dma.local [hbm:s3], $0xF7A  }
0x26: {  	[smem:$0x3F9D] =	sst s1;
	(tag) =	ssettag s2;
	_ =	strace s9  }
0x27: {  	s1 =	sld [smem:$0x3FAD]  }
0x28: {  	s2 =	sld [smem:$0x3FAE]  }
0x29: {  	s4 =	sld [smem:$0x3FB0]  }
0x2a: {  	p0 =	seq.s32 s5, $0x0;
	s5 =	sld [smem:$0x3FB1]  }
0x2b: {  	s6 =	sld [smem:$0x3FB2]  }
0x2c: {  	s7 =	sld [smem:$0x3FB3]  }
0x2d: {  	s3 =	simm.s32 $0x108;
	s8 =	sld [smem:$0x3FB4]  }
0x2e: {  	s3 =	simm.s32 @!p0 $0x1082;
	s9 =	sld [smem:$0x3FB5]  }
0x2f: {  	lr =	sadd.s32 s0, s3;
	s0 =	sld [smem:$0x3FAC]  }
0x30: {  	s3 =	sld [smem:$0x3FAF]  }
0x31: {  	[smem:$0x3FB8] =	sst s10  }
0x32: {  	s10 =	sld [smem:$0x3FB6];
	_ =	sdelay $0x3  }
0x33: {  	p0 =	seq.s32 s10, $0x1;
	s10 =	sld [smem:$0x3FB8];
	_ =	sdelay $0x3  }
0x34: {  	[smem:$0x3FB8] =	sst s10  }
0x35: {  	s10 =	sld [smem:$0x3FB7];
	_ =	sdelay $0x3  }
0x36: {  	p1 =	seq.s32 s10, $0x1;
	s10 =	sld [smem:$0x3FB8];
	_ =	sdelay $0x3  }
0x37: {  	[smem:$0x3FB8] =	sst s10  }
0x38: {  	s10 =	sld [smem:$0x3FB9]  }
0x39: {  	_ = 	snop;
	(pc) =	sbr.ind lr, $3  }
0x3a: {  	_ = 	snop  }
0x3b: {  	_ = 	snop  }
0x3c: {  	p2 =	seq.s32 s10, $0x1;
	s10 =	sld [smem:$0x3FB8]  }
0x3d: {  	_ =	shalt  }
0x3e: {  	_ =	shalt  }
0x3f: {  	_ =	shalt  }
0x40: {  	_ =	shalt  }
0x41: {  	_ =	shalt  }
0x42: {  	_ =	shalt  }
0x43: {  	_ =	shalt  }
0x44: {  	_ =	shalt  }
0x45: {  	_ =	shalt  }
0x46: {  	_ =	shalt  }
0x47: {  	_ =	shalt  }
0x48: {  	_ =	shalt  }
0x49: {  	_ =	shalt  }
0x4a: {  	_ =	shalt  }
0x4b: {  	_ =	shalt  }
0x4c: {  	_ =	shalt  }
0x4d: {  	_ =	shalt  }
0x4e: {  	_ =	shalt  }
0x4f: {  	_ =	shalt  }
0x50: {  	_ =	shalt  }
0x51: {  	_ =	shalt  }
0x52: {  	_ =	shalt  }
0x53: {  	_ =	shalt  }
0x54: {  	_ =	shalt  }
0x55: {  	_ =	shalt  }
0x56: {  	_ =	shalt  }
0x57: {  	_ =	shalt  }
0x58: {  	_ =	shalt  }
0x59: {  	_ =	shalt  }
0x5a: {  	_ =	shalt  }
0x5b: {  	_ =	shalt  }
0x5c: {  	_ =	shalt  }
0x5d: {  	_ =	shalt  }
0x5e: {  	_ =	shalt  }
0x5f: {  	_ =	shalt  }
0x60: {  	_ =	shalt  }
0x61: {  	_ =	shalt  }
0x62: {  	_ =	shalt  }
0x63: {  	_ =	shalt  }
0x64: {  	_ =	shalt  }
0x65: {  	_ =	shalt  }
0x66: {  	_ =	shalt  }
0x67: {  	_ =	shalt  }
0x68: {  	_ =	shalt  }
0x69: {  	_ =	shalt  }
0x6a: {  	_ =	shalt  }
0x6b: {  	_ =	shalt  }
0x6c: {  	_ =	shalt  }
0x6d: {  	_ =	shalt  }
0x6e: {  	_ =	shalt  }
0x6f: {  	_ =	shalt  }
0x70: {  	_ =	shalt  }
0x71: {  	_ =	shalt  }
0x72: {  	_ =	shalt  }
0x73: {  	_ =	shalt  }
0x74: {  	_ =	shalt  }
0x75: {  	_ =	shalt  }
0x76: {  	_ =	shalt  }
0x77: {  	_ =	shalt  }
0x78: {  	_ =	shalt  }
0x79: {  	_ =	shalt  }
0x7a: {  	_ =	shalt  }
0x7b: {  	_ =	shalt  }
0x7c: {  	_ =	shalt  }
0x7d: {  	_ =	shalt  }
0x7e: {  	_ =	shalt  }
0x7f: {  	_ =	shalt  }
0x80: {  	_ =	shalt  }
0x81: {  	_ =	shalt  }
0x82: {  	_ =	shalt  }
0x83: {  	_ =	shalt  }
0x84: {  	_ =	shalt  }
0x85: {  	_ =	shalt  }
0x86: {  	_ =	shalt  }
0x87: {  	_ =	shalt  }
.Lfunc_end0:
.L_simem_size_0:
called_computation_lowered:
.L_overlay_start_0:
0x88: {  	s2 =	sld [smem:$0x3FD9]  }
0x89: {  	s3 =	sld [smem:$0x3FFE];
	_ =	sdelay $0x1  }
0x8a: {  	s1 =	srdreg.scid  }
0x8b: {  	s0 =	sand.u32 $0x1, s1  }
0x8c: {  	s17 =	sshll.u32 s0, $0xA;
	s2 =	sadd.s32 s3, s2  }
0x8d: {  	s2 =	sadd.s32 s2, s17  }
0x8e: {  	[smem:$0x3FC4] =	sst s2  }
0x8f: {  	_ = 	snop  }
0x90: {  	s2 =	sld [smem:$0x3FC9]  }
0x91: {  	s18 =	sld [smem:$0x3FD0];
	(tm) =	ssettm $0x1  }
0x92: {  	s4 =	sld [smem:$0x3FFB];
	_ =	sdelay $0x3  }
0x93: {  	_ =	strace s4  }
0x94: {  	s4 =	sld [smem:$0x3FFC];
	_ =	sdelay $0x3  }
0x95: {  	_ =	strace s4  }
0x96: {  	s4 =	sld [smem:$0x3FFD];
	_ =	sdelay $0x3  }
0x97: {  	_ =	strace s4  }
0x98: {  	_ =	strace $0x8FFFFFFF  }
0x99: {  	s19 =	sld [smem:$0x3FDB];
	_ =	sdelay $0x1  }
0x9a: {  	s5 =	simm.s32 $_scs_section_size  }
0x9b: {  	s6 =	simm.s32 $_size__tile_overlayer_lowered;
	s7 =	simm.s32 $_tile_overlayer_lowered  }
0x9c: {  	s22 =	simm.s32 $0x1BFF;
	s21 =	sshll.u32 s7, $0x1;
	s4 =	sadd.s32 s5, s19  }
0x9d: {  	s8 =	simm.s32 $0x0;
	s20 =	sshll.u32 s6, $0x1;
	s6 =	sadd.s32 s21, s4  }
0x9e: {  	[timem:s8], [sflag:s22] =	dma.local [hbm:s6], s20  }
0x9f: {  	_ =	swait.ge [sflag:s22], s20  }
0xa0: {  	s5 =	ssub.s32 $0x0, s20;
	[sflag:s22] =	ssyncset.done $0x0  }
0xa1: {  	[sflag:s22] =	ssyncadd.s32 s5;
	_ =	sdelay $0x1  }
0xa2: {  	s23 =	simm.s32 $0x1B8B  }
0xa3: {  	_ =	swait.ge [sflag:s23], $0x1  }
0xa4: {  	[sflag:s23] =	ssyncset.done $0x0  }
0xa5: {  	s25 =	simm.s32 $0x1B8E;
	s24 =	sld [smem:$0x3FFE];
	[sflag:s23] =	ssyncadd.s32 $0xFFFFFFFF  }
0xa6: {  	s26 =	simm.s32 $execute0_lowered;
	[smem:$0x3FD2] =	sst s25  }
0xa7: {  	s6 =	sshll.u32 s26, $0x1;
	_ =	strace $0x80000046;
	[dreg:$0x1] =	wrdreg $0xFFFFFFFF  }
0xa8: {  	s28 =	simm.s32 $_size_execute0_lowered;
	s4 =	sadd.s32 s4, s6;
	[dreg:$0x0] =	wrdreg $0x0  }
0xa9: {  	s6 =	sshll.u32 s28, $0x1;
	[dreg:$0x2] =	wrdreg s4  }
0xaa: {  	[dreg:$0x3] =	wrdreg s6  }
0xab: {  	[dreg:$0x4] =	wrdreg $0xC0  }
0xac: {  	_ =	task [dreg:s8], $0x5FFFF  }
0xad: {  	[dreg:$0x1] =	wrdreg $0xFFFFFFFF  }
0xae: {  	[dreg:$0x0] =	wrdreg $0x60  }
0xaf: {  	[dreg:$0x2] =	wrdreg s24  }
0xb0: {  	[dreg:$0x3] =	wrdreg s2  }
0xb1: {  	[dreg:$0x4] =	wrdreg s18  }
0xb2: {  	[dreg:$0x5] =	wrdreg $0x0  }
0xb3: {  	[dreg:$0x6] =	wrdreg $0x80000  }
0xb4: {  	[dreg:$0x7] =	wrdreg $0x100000  }
0xb5: {  	[dreg:$0x8] =	wrdreg $0x9  }
0xb6: {  	_ =	task.clear_ibuf [dreg:s8], $0x9FFFF;
	_ =	strace $0x90000046  }
0xb7: {  	s29 =	simm.s32 $0x9;
	_ =	strace $0x80000048  }
0xb8: {  	_ =	swait.ge [sflag:s29], $0x1  }
0xb9: {  	[sflag:s29] =	ssyncadd.s32 $0xFFFFFFFF  }
0xba: {  	_ =	strace $0x90000048  }
0xbb: {  	_ =	sfence  }
0xbc: {  	s30 =	sld [smem:$0x0];
	_ =	sdelay $0x2  }
0xbd: {  	s31 =	sshll.u32 s1, $0xD;
	s1 =	sshrl.u32 s1, $0x2  }
0xbe: {  	s3 =	sand.u32 $0x4000, s31;
	s1 =	sadd.s32 s1, s30  }
0xbf: {  	s0 =	sor.u32 s3, s0;
	s1 =	sshll.u32 s1, $0x11  }
0xc0: {  	s0 =	sor.u32 s1, s0  }
0xc1: {  	s0 =	sadd.s32 $0x8F2B, s0  }
0xc2: {  	[sflag:s0] =	ssyncadd.remote.s32 $0x1  }
0xc3: {  	_ =	sfence.sel $0xFFFF  }
0xc4: {  	[dreg:$0x0] =	wrdreg $0xFFFFFFFF;
	(pc) =	sbr.abs _section_cstart, $3  }
0xc5: {  	[dreg:$0x1] =	wrdreg $0xFFFFFFFF  }
0xc6: {  	_ =	task.clear_ibuf [dreg:s8], $0x2FFFF;
	_ =	strace $0x9FFFFFFF  }
0xc7: {  	(tm) =	ssettm $0x7FFFFFFF  }
tec
execute0_lowered:
.L_overlay_start_1:
0x0: {  	(tag) =	ssettag $0x1  }
0x1: {  	s0 =	rddreg [dreg:$0x0]  }
0x2: {  	s1 =	rddreg [dreg:$0x1]  }
0x3: {  	s4 =	rddreg [dreg:$0x2]  }
0x4: {  	s5 =	rddreg [dreg:$0x3]  }
0x5: {  	s6 =	rddreg [dreg:$0x4]  }
0x6: {  	s7 =	rddreg [dreg:$0x5]  }
0x7: {  	s2 =	simm.s32 $0x0;
	s3 =	srdreg.scid;
	s22 =	stileid.u32  }
0x8: {  	s28 =	simm.s32 $0x1;
	s29 =	simm.s32 $0x1C04;
	s30 =	simm.s32 $0x1C03  }
0x9: {  	s31 =	simm.s32 $0x2;
	[smem:$0x7FF] =	sst s2;
	s3 =	sand.u32 $0x1, s3  }
0xa: {  	s2 =	sadd.s32 $0x8A200, s0;
	p1 =	sne.s32 s22, $0x0;
	_ =	strace $0x80000047  }
0xb: {  	s8 =	ssub.s32 $0x2, s3;
	s17 =	sshll.u32 s3, $0x13;
	s15 =	sor.u32 s22, s3  }
0xc: {  	s3 =	sadd.s32 $0x100, s0;
	s22 =	sshrl.u32 s5, $0x3;
	s5 =	simm.s32 $0x3  }
0xd: {  	s9 =	sshrl.u32 s8, $0x1;
	s16 =	sor.u32 $0x10000, s17;
	s10 =	sadd.s32 s1, s17  }
0xe: {  	s19 =	sadd.s32 s4, s17;
	s20 =	sor.u32 $0x20000, s17;
	[dreg:$0x7] =	wrdreg s10  }
0xf: {  	s12 =	sor.u32 $0x30000, s17;
	s18 =	sadd.s32 s1, s16;
	[dreg:$0x9] =	wrdreg s19  }
0x10: {  	s14 =	sor.u32 $0x40000, s17;
	s11 =	sadd.s32 s1, s20;
	[dreg:$0x8] =	wrdreg s18  }
0x11: {  	s8 =	ssub.s32 s8, s9;
	s9 =	sadd.s32 s4, s16;
	[dreg:$0xa] =	wrdreg s11  }
0x12: {  	p0 =	sne.s32 s15, $0x0;
	s21 =	sadd.s32 s1, s12;
	[dreg:$0xb] =	wrdreg s9  }
0x13: {  	s23 =	sadd.s32 s4, s20;
	s16 =	sor.u32 $0x50000, s17;
	[dreg:$0xc] =	wrdreg s21  }
0x14: {  	s24 =	sadd.s32 s1, s14;
	s25 =	sadd.s32 s4, s12;
	[dreg:$0xd] =	wrdreg s23  }
0x15: {  	s14 =	sadd.s32 s4, s14;
	s19 =	sor.u32 $0x70000, s17;
	[dreg:$0xe] =	wrdreg s24  }
0x16: {  	s20 =	sadd.s32 $0x100000, s4;
	[dreg:$0xf] =	wrdreg s25;
	s26 =	sadd.s32 s1, s16  }
0x17: {  	s18 =	sor.u32 $0x60000, s17;
	s16 =	sadd.s32 s4, s16;
	s17 =	sadd.s32 s1, s19  }
.Ltmp0:
0x18: {  	s19 =	sadd.s32 s4, s19;
	s21 =	smax.u32 s8, $0x1;
	(pc) =	sbr.rel .LBB2_1-.Ltmp0, $4  }
0x19: {  	s23 =	simm.s32 $0x1C01;
	s24 =	sshrl.u32 s6, $0x3;
	s25 =	sshrl.u32 s7, $0x3  }
0x1a: {  	s6 =	simm.s32 $0x1C06;
	s7 =	simm.s32 $0x5;
	s8 =	simm.s32 $0x6  }
0x1b: {  	[dreg:$0x10] =	wrdreg s26;
	s15 =	sadd.s32 s1, s18;
	s18 =	sadd.s32 s4, s18  }
0x1c: {  	vm0 =	vmmov @!p0 $0xffff;
	s26 =	simm.s32 $0x1C02;
	s1 =	simm.s32 $0x1C05;
	s4 =	simm.s32 $0x4  }
.LBB2_3:
0x1d: {  	s21 =	sadd.s32 $0xFFFFFFFF, s21  }
0x1e: {  	p2 =	sne.s32 s21, $0x0  }
.Ltmp1:
0x1f: {  	_ = 	snop;
	(pc) =	sbr.rel @!p2 .LBB2_4-.Ltmp1, $1  }
0x20: {  	_ =	sdelay $0x3  }
.LBB2_1:
0x21: {  	s9 =	simm.s32 @!p0 $0x0;
	s10 =	simm.s32 @!p0 $0x18000  }
0x22: {  	[tilespmem:s10], [sflag:$0x8] =	stream.linear.gather @!p0 [hbm4b:s2+s9], $0x80, $0x38;
	[tilespmem:$0x19080] =	vst v63  }
0x23: {  	s10 =	simm.s32 @!p0 $0x8  }
0x24: {  	_ =	swait.ge @!p0 [sflag:s10], $0x80  }
0x25: {  	[sflag:s10] =	ssyncset.done @!p0 $0x0  }
0x26: {  	[sflag:s10] =	ssyncadd.s32 @!p0 $0xFFFFFF80  }
0x27: {  	v0 =	vld.msk @!p0 [tilespmem:$0x18000], $0xff;
	_ =	sdelay $0x4  }
0x28: {  	v1 =	vshll.u32 @!p0 v0, $0x2  }
0x29: {  	v2 =	vlaneseq.u32 @!p0;
	v0 =	vand.u32 @!p0 $0x7, v0;
	v1 =	vand.u32 @!p0 $0xFFFFFFE0, v1  }
0x2a: {  	v0 =	vor.u32 @!p0 v0, v1;
	v1 =	vand.u32 @!p0 $0x7, v2;
	v2 =	vshrl.u32 @!p0 v2, $0x3  }
0x2b: {  	v0 =	vperm.xlane @!p0 v0, v1;
	v1 =	vmul.u32 @!p0 $0x8, v2;
	_ =	sdelay $0x1  }
0x2c: {  	v0 =	vadd.s32 @!p0 v1, v0;
	_ =	sdelay $0x3  }
0x2d: {  	s11 =	simm.s32 @!p0 $0x18080  }
0x2e: {  	[tilespmem:s11], [sflag:$0x7] =	stream.indirect_vreg.gather @!p0 [hbm4b:s0+s9], $0x80, v0, vm0, $0xb8;
	[tilespmem:$0x19080] =	vst v63  }
0x2f: {  	s12 =	simm.s32 @!p0 $0x18880;
	s13 =	simm.s32 @!p0 $0x7  }
0x30: {  	[tilespmem:s12], [sflag:$0x7] =	stream.indirect_vreg.gather @!p0 [hbm4b:s3+s9], $0x80, v0, vm0, $0xb8;
	[tilespmem:$0x19080] =	vst v63  }
0x31: {  	_ =	swait.ge @!p0 [sflag:s13], $0x1000  }
0x32: {  	[sflag:s13] =	ssyncset.done @!p0 $0x0  }
0x33: {  	[sflag:s13] =	ssyncadd.s32 @!p0 $0xFFFFF000  }
0x34: {  	[hbm4b:s20+s9] =	stream.linear.scatter @!p0 [tilespmem:s11], [sflag:$0x8], $0x80, $0x38;
	[tilespmem:$0x19080] =	vst v63  }
0x35: {  	s13 =	simm.s32 @!p0 $0x18480;
	s11 =	sadd.s32 @!p0 $0x80, s20  }
0x36: {  	[hbm4b:s11+s9] =	stream.linear.scatter @!p0 [tilespmem:s13], [sflag:$0x8], $0x80, $0x38;
	[tilespmem:$0x19080] =	vst v63  }
0x37: {  	s11 =	sadd.s32 @!p0 $0x100, s20  }
0x38: {  	[hbm4b:s11+s9] =	stream.linear.scatter @!p0 [tilespmem:s12], [sflag:$0x8], $0x80, $0x38;
	[tilespmem:$0x19080] =	vst v63  }
.Ltmp2:
0x39: {  	s11 =	sadd.s32 @!p0 $0x180, s20;
	s12 =	simm.s32 @!p0 $0x18C80;
	(pc) =	sbr.rel @p1 .LBB2_3-.Ltmp2, $4  }
0x3a: {  	[hbm4b:s11+s9] =	stream.linear.scatter @!p0 [tilespmem:s12], [sflag:$0x8], $0x80, $0x38;
	[tilespmem:$0x19080] =	vst v63  }
0x3b: {  	_ =	swait.ge @!p0 [sflag:s10], $0x200  }
0x3c: {  	[sflag:s10] =	ssyncset.done @!p0 $0x0  }
0x3d: {  	[sflag:s10] =	ssyncadd.s32 @!p0 $0xFFFFFE00  }
0x3e: {  	s9 =	rddreg [dreg:$0x7]  }
0x3f: {  	[spmem:s22], [sflag:s23] =	dma.local [hbm:s9], $0x10000  }
0x40: {  	s9 =	rddreg [dreg:$0x8]  }
0x41: {  	[spmem:s24], [sflag:s26] =	dma.local [hbm:s9], $0x10000  }
0x42: {  	_ =	swait.ge [sflag:s28], $0x10000  }
0x43: {  	[sflag:s28] =	ssyncset.done $0x0  }
0x44: {  	s11 =	rddreg [dreg:$0x9];
	[sflag:s28] =	ssyncadd.s32 $0xFFFF0000  }
0x45: {  	[hbm:s11], [sflag:s29] =	dma.local [spmem:s22], $0x10000  }
0x46: {  	s9 =	rddreg [dreg:$0xa]  }
0x47: {  	[spmem:s25], [sflag:s30] =	dma.local [hbm:s9], $0x10000  }
0x48: {  	_ =	swait.ge [sflag:s31], $0x10000  }
0x49: {  	[sflag:s31] =	ssyncset.done $0x0  }
0x4a: {  	s12 =	rddreg [dreg:$0xb];
	[sflag:s31] =	ssyncadd.s32 $0xFFFF0000  }
0x4b: {  	[hbm:s12], [sflag:s1] =	dma.local [spmem:s24], $0x10000  }
0x4c: {  	_ =	swait.ge [sflag:s4], $0x10000  }
0x4d: {  	[sflag:s4] =	ssyncset.done $0x0  }
0x4e: {  	s13 =	rddreg [dreg:$0xc];
	[sflag:s4] =	ssyncadd.s32 $0xFFFF0000  }
0x4f: {  	[spmem:s22], [sflag:s23] =	dma.local [hbm:s13], $0x10000  }
0x50: {  	_ =	swait.ge [sflag:s5], $0x10000  }
0x51: {  	[sflag:s5] =	ssyncset.done $0x0  }
0x52: {  	s10 =	rddreg [dreg:$0xd];
	[sflag:s5] =	ssyncadd.s32 $0xFFFF0000  }
0x53: {  	[hbm:s10], [sflag:s6] =	dma.local [spmem:s25], $0x10000  }
0x54: {  	_ =	swait.ge [sflag:s7], $0x10000  }
0x55: {  	[sflag:s7] =	ssyncset.done $0x0  }
0x56: {  	s11 =	rddreg [dreg:$0xe];
	[sflag:s7] =	ssyncadd.s32 $0xFFFF0000  }
0x57: {  	[spmem:s24], [sflag:s26] =	dma.local [hbm:s11], $0x10000  }
0x58: {  	_ =	swait.ge [sflag:s28], $0x10000  }
0x59: {  	[sflag:s28] =	ssyncset.done $0x0  }
0x5a: {  	s12 =	rddreg [dreg:$0xf];
	[sflag:s28] =	ssyncadd.s32 $0xFFFF0000  }
0x5b: {  	[hbm:s12], [sflag:s29] =	dma.local [spmem:s22], $0x10000  }
0x5c: {  	_ =	swait.ge [sflag:s8], $0x10000  }
0x5d: {  	[sflag:s8] =	ssyncset.done $0x0  }
0x5e: {  	s13 =	rddreg [dreg:$0x10];
	[sflag:s8] =	ssyncadd.s32 $0xFFFF0000  }
0x5f: {  	[spmem:s25], [sflag:s30] =	dma.local [hbm:s13], $0x10000  }
0x60: {  	_ =	swait.ge [sflag:s31], $0x10000  }
0x61: {  	[sflag:s31] =	ssyncset.done $0x0  }
0x62: {  	[sflag:s31] =	ssyncadd.s32 $0xFFFF0000  }
0x63: {  	[hbm:s14], [sflag:s1] =	dma.local [spmem:s24], $0x10000  }
0x64: {  	_ =	swait.ge [sflag:s4], $0x10000  }
0x65: {  	[sflag:s4] =	ssyncset.done $0x0  }
0x66: {  	[sflag:s4] =	ssyncadd.s32 $0xFFFF0000  }
0x67: {  	[spmem:s22], [sflag:s23] =	dma.local [hbm:s15], $0x10000  }
0x68: {  	_ =	swait.ge [sflag:s5], $0x10000  }
0x69: {  	[sflag:s5] =	ssyncset.done $0x0  }
0x6a: {  	[sflag:s5] =	ssyncadd.s32 $0xFFFF0000  }
0x6b: {  	[hbm:s16], [sflag:s6] =	dma.local [spmem:s25], $0x10000  }
0x6c: {  	_ =	swait.ge [sflag:s7], $0x10000  }
0x6d: {  	[sflag:s7] =	ssyncset.done $0x0  }
0x6e: {  	[sflag:s7] =	ssyncadd.s32 $0xFFFF0000  }
0x6f: {  	[spmem:s24], [sflag:s26] =	dma.local [hbm:s17], $0x10000  }
0x70: {  	_ =	swait.ge [sflag:s28], $0x10000  }
0x71: {  	[sflag:s28] =	ssyncset.done $0x0  }
0x72: {  	[sflag:s28] =	ssyncadd.s32 $0xFFFF0000  }
0x73: {  	[hbm:s18], [sflag:s29] =	dma.local [spmem:s22], $0x10000  }
0x74: {  	_ =	swait.ge [sflag:s31], $0x10000  }
0x75: {  	[sflag:s31] =	ssyncset.done $0x0  }
0x76: {  	[sflag:s31] =	ssyncadd.s32 $0xFFFF0000  }
0x77: {  	[hbm:s19], [sflag:s1] =	dma.local [spmem:s24], $0x10000  }
0x78: {  	_ =	swait.ge [sflag:s8], $0x10000  }
0x79: {  	[sflag:s8] =	ssyncset.done $0x0  }
0x7a: {  	[sflag:s8] =	ssyncadd.s32 $0xFFFF0000  }
0x7b: {  	_ =	swait.ge [sflag:s4], $0x10000  }
.Ltmp3:
0x7c: {  	[sflag:s4] =	ssyncset.done $0x0;
	(pc) =	sbr.rel .LBB2_3-.Ltmp3, $4  }
0x7d: {  	[sflag:s4] =	ssyncadd.s32 $0xFFFF0000  }
0x7e: {  	_ =	swait.ge [sflag:s7], $0x10000  }
0x7f: {  	[sflag:s7] =	ssyncset.done $0x0  }
0x80: {  	[sflag:s7] =	ssyncadd.s32 $0xFFFF0000  }
.LBB2_4:
0x81: {  	_ =	sfence.sel $0x180000  }
0x82: {  	[bflag:$0x0] =	sbarrier.arrive $0xFFFF  }
0x83: {  	_ =	strace $0x90000047  }
0x84: {  	[bflag:$0x2] =	sbarrier.arrive $0xFFFF  }
0x85: {  	s0 =	rddreg [dreg:$0x6]  }
0x86: {  	s0 =	sadd.s32 @!p1 $0x100000, s0  }
0x87: {  	[sflag:s0] =	ssyncadd.tile.s32 @!p1 $0x1;
	_ =	shalt  }
.Lfunc_end2:
_tile_overlayer_lowered:
.L_overlay_start_2:
0x88: {  	(tag) =	ssettag $0x2  }
0x89: {  	s0 =	rddreg [dreg:$0x0];
	s2 =	stileid.u32  }
0x8a: {  	s1 =	rddreg [dreg:$0x1];
	p0 =	sne.s32 s2, $0x0  }
0x8b: {  	s3 =	rddreg [dreg:$0x2];
	[bflag:$0x3] =	sbarrier.arrive $0xFFFF;
	s2 =	simm.s32 @!p0 $0x1C08  }
0x8c: {  	[timem:s3], [sflag:s2] =	dma.local @!p0 [hbm:s0], s1  }
0x8d: {  	s0 =	simm.s32 @!p0 $0x8  }
0x8e: {  	_ =	swait.ge @!p0 [sflag:s0], s1  }
0x8f: {  	s1 =	ssub.s32 @!p0 $0x0, s1;
	[sflag:s0] =	ssyncset.done @!p0 $0x0  }
0x90: {  	[sflag:s0] =	ssyncadd.s32 @!p0 s1  }
0x91: {  	[bflag:$0x3] =	sbarrier.arrive $0xFFFF  }
0x92: {  	_ =	shalt  }

</sc_bundles>
